<compile_context>
chip_gen: v7x
topology: tpu7x:2x2x1
jax: 0.10.2.dev20260603
libtpu: 0.0.44.dev20260713+nightly
codegen_flags: <defaults>
</compile_context>

<pallas_src>
import functools

import jax
import jax.numpy as jnp
from jax import lax
from jax.experimental import pallas as pl
from jax.experimental.pallas import tpu as pltpu
from jax.experimental.pallas import tpu_sc as plsc

_NUM_NODES = 1_100_000
_NUM_PHYS = 1_000_000
_NUM_PINS = 4_000_000

_NC = 2
_NS = 16
_NW = _NC * _NS
_PINS_PER_W = _NUM_PINS // _NW
_CHUNK = 5000
_CHUNKS_PER_W = _PINS_PER_W // _CHUNK
_CBUF = 5008
_GROUPS = _CBUF // 16


@functools.partial(
    pl.kernel,
    out_type=jax.ShapeDtypeStruct((2 * _NUM_PINS,), jnp.float32),
    mesh=plsc.VectorSubcoreMesh(core_axis_name="c", subcore_axis_name="s"),
    scratch_types=[
        pltpu.VMEM((_CBUF,), jnp.int32),
        pltpu.VMEM((_CBUF,), jnp.float32),
        pltpu.VMEM((_CBUF,), jnp.float32),
        pltpu.VMEM((_CBUF,), jnp.float32),
        pltpu.VMEM((_CBUF,), jnp.float32),
        pltpu.SemaphoreType.DMA,
        pltpu.SemaphoreType.DMA,
    ],
)
def _pinpos_sc(pos_hbm, posy_hbm, offx_hbm, offy_hbm, map_hbm, out_hbm,
               idx_v, gx_v, gy_v, ox_v, oy_v, semx, semy):
    wid = lax.axis_index("s") * _NC + lax.axis_index("c")
    base = wid * _PINS_PER_W
    idx_v[pl.ds(_CBUF - 16, 16)] = jnp.zeros((16,), jnp.int32)

    def chunk_body(j, carry):
        off = pl.multiple_of(base + j * _CHUNK, 8)
        pltpu.sync_copy(map_hbm.at[pl.ds(off, _CHUNK)], idx_v.at[pl.ds(0, _CHUNK)])
        cx = pltpu.async_copy(pos_hbm.at[idx_v], gx_v, semx)
        cy = pltpu.async_copy(posy_hbm.at[idx_v], gy_v, semy)
        pltpu.sync_copy(offx_hbm.at[pl.ds(off, _CHUNK)], ox_v.at[pl.ds(0, _CHUNK)])
        pltpu.sync_copy(offy_hbm.at[pl.ds(off, _CHUNK)], oy_v.at[pl.ds(0, _CHUNK)])
        cx.wait()
        cy.wait()

        def add_body(i, c):
            s = pl.ds(i * 16, 16)
            gx_v[s] = gx_v[s] + ox_v[s]
            gy_v[s] = gy_v[s] + oy_v[s]
            return c

        lax.fori_loop(0, _GROUPS, add_body, 0)
        pltpu.sync_copy(gx_v.at[pl.ds(0, _CHUNK)], out_hbm.at[pl.ds(off, _CHUNK)])
        pltpu.sync_copy(gy_v.at[pl.ds(0, _CHUNK)],
                        out_hbm.at[pl.ds(_NUM_PINS + off, _CHUNK)])
        return carry

    lax.fori_loop(0, _CHUNKS_PER_W, chunk_body, 0)


def kernel(pos, pin_offset_x, pin_offset_y, pin2node_map):
    posy = lax.slice(pos, (_NUM_NODES,), (_NUM_NODES + _NUM_PHYS,))
    return _pinpos_sc(pos, posy, pin_offset_x, pin_offset_y, pin2node_map)

# --- scband reference (transcript-rebuilt; emitter-appended) ---
"""Pipeline reference for scband-pin-pos-66219805769979 (READ-ONLY COPY).

The authoritative reference and input builder live on the scoring server;
editing this copy changes nothing except your own understanding.
"""

import jax, jax.numpy as jnp
import numpy as np

NUM_NODES = 1100000
NUM_PHYSICAL_NODES = 1000000
NUM_PINS = 4000000


def setup_inputs(seed: int = 0) -> dict:
    key = jax.random.key(seed)
    k1, k2, k3, k4 = jax.random.split(key, 4)
    pos = jax.random.normal(k1, (2 * NUM_NODES,), dtype=jnp.float32)
    pin_offset_x = jax.random.uniform(k2, (NUM_PINS,), dtype=jnp.float32)
    pin_offset_y = jax.random.uniform(k3, (NUM_PINS,), dtype=jnp.float32)
    pin2node_map = jax.random.randint(k4, (NUM_PINS,), 0, NUM_PHYSICAL_NODES, dtype=jnp.int32)
    return {
        "pos": pos,
        "pin_offset_x": pin_offset_x,
        "pin_offset_y": pin_offset_y,
        "pin2node_map": pin2node_map,
    }


def reference(pos, pin_offset_x, pin_offset_y, pin2node_map):
    # pos layout: [x_0..x_{num_nodes-1}, y_0..y_{num_nodes-1}]
    num_nodes = pos.shape[0] // 2
    # pin_x[i] = pin_offset_x[i] + pos_x[pin2node_map[i]]  (gather, i.e. x[i] += t[index[i]])
    pin_x = pin_offset_x + jnp.take(pos[:NUM_PHYSICAL_NODES], pin2node_map, axis=0)
    pin_y = pin_offset_y + jnp.take(pos[num_nodes:num_nodes + NUM_PHYSICAL_NODES], pin2node_map, axis=0)
    return jnp.concatenate([pin_x, pin_y], axis=0)

if __name__ == "__main__":
    import jax
    _d = setup_inputs()
    print(jax.jit(kernel)(*tuple(_d.values())))

</pallas_src>

<mosaic_0001>
#map = affine_map<(d0, d1) -> (0)>
module attributes {stable_mosaic.version = 14 : i64} {
  func.func @_pinpos_sc(%arg0: i32, %arg1: i32, %arg2: memref<2200000xf32, #tpu.memory_space<hbm>>, %arg3: memref<1000000xf32, #tpu.memory_space<hbm>>, %arg4: memref<4000000xf32, #tpu.memory_space<hbm>>, %arg5: memref<4000000xf32, #tpu.memory_space<hbm>>, %arg6: memref<4000000xi32, #tpu.memory_space<hbm>>, %arg7: memref<8000000xf32, #tpu.memory_space<hbm>>, %arg8: memref<5008xi32, #tpu.memory_space<vmem>>, %arg9: memref<5008xf32, #tpu.memory_space<vmem>>, %arg10: memref<5008xf32, #tpu.memory_space<vmem>>, %arg11: memref<5008xf32, #tpu.memory_space<vmem>>, %arg12: memref<5008xf32, #tpu.memory_space<vmem>>, %arg13: memref<!tpu.dma_semaphore, #tpu.memory_space<semaphore_mem>>, %arg14: memref<!tpu.dma_semaphore, #tpu.memory_space<semaphore_mem>>) attributes {dimension_semantics = [#tpu.dimension_semantics<core_parallel>, #tpu.dimension_semantics<subcore_parallel>], iteration_bounds = array<i64: 2, 16>, scalar_prefetch = 0 : i64, scratch_operands = 7 : i64, tpu.core_type = #tpu.core_type<sc_vector_subcore>, window_params = [{transform_indices = #map}, {transform_indices = #map}, {transform_indices = #map}, {transform_indices = #map}, {transform_indices = #map}, {transform_indices = #map}]} {
    %mul3A = arith.constant 2 : i32
    %mul3A_0 = arith.muli %arg1, %mul3A : i32
    %add3A = arith.addi %mul3A_0, %arg0 : i32
    %mul3A_1 = arith.constant 125000 : i32
    %mul3A_2 = arith.muli %add3A, %mul3A_1 : i32
    %broadcast_in_dim3A = arith.constant 0 : i32
    %broadcast_in_dim3A_3 = vector.broadcast %broadcast_in_dim3A : i32 to vector<16xi32>
    %swap3A = arith.constant 4992 : index
    %swap3A_4 = tpu.vector_load %arg8[%swap3A] {strides = array<i32>} : memref<5008xi32, #tpu.memory_space<vmem>>, vector<16xi32>,
    %swap3A_5 = vector.shape_cast %swap3A_4 : vector<16xi32> to vector<16xi32>
    %swap3A_6 = vector.shape_cast %broadcast_in_dim3A_3 : vector<16xi32> to vector<16xi32>
    tpu.vector_store %arg8[%swap3A], %swap3A_6 {strides = array<i32>} : memref<5008xi32, #tpu.memory_space<vmem>>, vector<16xi32>,
    %scan3A = arith.constant 0 : i32
    %scan3A_7 = arith.constant 0 : i32
    %scan3A_8 = arith.constant 25 : i32
    %scan3A_9 = arith.addi %scan3A_7, %scan3A_8 : i32
    %scan3A_10 = arith.constant 1 : i32
    scf.for %scan3A_12 = %scan3A_7 to %scan3A_9 step %scan3A_10  : i32 {
      %mul3A_13 = arith.constant 5000 : i32
      %mul3A_14 = arith.muli %scan3A_12, %mul3A_13 : i32
      %add3A_15 = arith.addi %mul3A_2, %mul3A_14 : i32
      %multiple_of3A = tpu.assume_multiple %add3A_15, 8 : i32
      "tpu.region"() ({
        %run_scoped3A = tpu.sem_alloc : memref<!tpu.dma_semaphore, #tpu.memory_space<semaphore_mem>>
        %dma_start3A_30 = arith.constant 0 : i32
        %dma_start3A_31 = tpu.memref_slice %arg8[%dma_start3A_30] : memref<5008xi32, #tpu.memory_space<vmem>> -> memref<5000xi32, #tpu.memory_space<vmem>>
        %dma_start3A_32 = tpu.memref_slice %arg6[%multiple_of3A] : memref<4000000xi32, #tpu.memory_space<hbm>> -> memref<5000xi32, #tpu.memory_space<hbm>>
        %dma_start3A_33 = arith.constant 0 : i32
        %dma_start3A_34 = tpu.memref_slice %arg8[%dma_start3A_33] : memref<5008xi32, #tpu.memory_space<vmem>> -> memref<5000xi32, #tpu.memory_space<vmem>>
        %dma_start3A_35 = tpu.memref_slice %arg6[%multiple_of3A] : memref<4000000xi32, #tpu.memory_space<hbm>> -> memref<5000xi32, #tpu.memory_space<hbm>>
        tpu.enqueue_dma source(%dma_start3A_35 : memref<5000xi32, #tpu.memory_space<hbm>>) target(%dma_start3A_34 : memref<5000xi32, #tpu.memory_space<vmem>>) target_semaphore(%run_scoped3A : memref<!tpu.dma_semaphore, #tpu.memory_space<semaphore_mem>>)
        %dma_wait3A_36 = arith.constant 0 : i32
        %dma_wait3A_37 = tpu.memref_slice %arg8[%dma_wait3A_36] : memref<5008xi32, #tpu.memory_space<vmem>> -> memref<5000xi32, #tpu.memory_space<vmem>>
        %dma_wait3A_38 = tpu.memref_slice %arg6[%multiple_of3A] : memref<4000000xi32, #tpu.memory_space<hbm>> -> memref<5000xi32, #tpu.memory_space<hbm>>
        %dma_wait3A_39 = arith.constant 0 : i32
        %dma_wait3A_40 = tpu.memref_slice %arg8[%dma_wait3A_39] : memref<5008xi32, #tpu.memory_space<vmem>> -> memref<5000xi32, #tpu.memory_space<vmem>>
        %dma_wait3A_41 = tpu.memref_slice %arg6[%multiple_of3A] : memref<4000000xi32, #tpu.memory_space<hbm>> -> memref<5000xi32, #tpu.memory_space<hbm>>
        tpu.wait_dma2 semaphore(%run_scoped3A : memref<!tpu.dma_semaphore, #tpu.memory_space<semaphore_mem>>) src(%dma_wait3A_41 : memref<5000xi32, #tpu.memory_space<hbm>>) dst(%dma_wait3A_40 : memref<5000xi32, #tpu.memory_space<vmem>>)
        tpu.yield
      }) : () -> ()
      %dma_start3A = arith.constant 0 : i32
      %dma_start3A_16 = tpu.memref_slice %arg2[%dma_start3A] : memref<2200000xf32, #tpu.memory_space<hbm>> -> memref<2200000xf32, #tpu.memory_space<hbm>>
      tpu.enqueue_indirect_dma source(%dma_start3A_16 : memref<2200000xf32, #tpu.memory_space<hbm>>) target(%arg9 : memref<5008xf32, #tpu.memory_space<vmem>>) offsets(%arg8 : memref<5008xi32, #tpu.memory_space<vmem>>) semaphore(%arg13 : memref<!tpu.dma_semaphore, #tpu.memory_space<semaphore_mem>>)
      %dma_start3A_17 = arith.constant 0 : i32
      %dma_start3A_18 = tpu.memref_slice %arg3[%dma_start3A_17] : memref<1000000xf32, #tpu.memory_space<hbm>> -> memref<1000000xf32, #tpu.memory_space<hbm>>
      tpu.enqueue_indirect_dma source(%dma_start3A_18 : memref<1000000xf32, #tpu.memory_space<hbm>>) target(%arg10 : memref<5008xf32, #tpu.memory_space<vmem>>) offsets(%arg8 : memref<5008xi32, #tpu.memory_space<vmem>>) semaphore(%arg14 : memref<!tpu.dma_semaphore, #tpu.memory_space<semaphore_mem>>)
      "tpu.region"() ({
        %run_scoped3A = tpu.sem_alloc : memref<!tpu.dma_semaphore, #tpu.memory_space<semaphore_mem>>
        %dma_start3A_30 = arith.constant 0 : i32
        %dma_start3A_31 = tpu.memref_slice %arg11[%dma_start3A_30] : memref<5008xf32, #tpu.memory_space<vmem>> -> memref<5000xf32, #tpu.memory_space<vmem>>
        %dma_start3A_32 = tpu.memref_slice %arg4[%multiple_of3A] : memref<4000000xf32, #tpu.memory_space<hbm>> -> memref<5000xf32, #tpu.memory_space<hbm>>
        %dma_start3A_33 = arith.constant 0 : i32
        %dma_start3A_34 = tpu.memref_slice %arg11[%dma_start3A_33] : memref<5008xf32, #tpu.memory_space<vmem>> -> memref<5000xf32, #tpu.memory_space<vmem>>
        %dma_start3A_35 = tpu.memref_slice %arg4[%multiple_of3A] : memref<4000000xf32, #tpu.memory_space<hbm>> -> memref<5000xf32, #tpu.memory_space<hbm>>
        tpu.enqueue_dma source(%dma_start3A_35 : memref<5000xf32, #tpu.memory_space<hbm>>) target(%dma_start3A_34 : memref<5000xf32, #tpu.memory_space<vmem>>) target_semaphore(%run_scoped3A : memref<!tpu.dma_semaphore, #tpu.memory_space<semaphore_mem>>)
        %dma_wait3A_36 = arith.constant 0 : i32
        %dma_wait3A_37 = tpu.memref_slice %arg11[%dma_wait3A_36] : memref<5008xf32, #tpu.memory_space<vmem>> -> memref<5000xf32, #tpu.memory_space<vmem>>
        %dma_wait3A_38 = tpu.memref_slice %arg4[%multiple_of3A] : memref<4000000xf32, #tpu.memory_space<hbm>> -> memref<5000xf32, #tpu.memory_space<hbm>>
        %dma_wait3A_39 = arith.constant 0 : i32
        %dma_wait3A_40 = tpu.memref_slice %arg11[%dma_wait3A_39] : memref<5008xf32, #tpu.memory_space<vmem>> -> memref<5000xf32, #tpu.memory_space<vmem>>
        %dma_wait3A_41 = tpu.memref_slice %arg4[%multiple_of3A] : memref<4000000xf32, #tpu.memory_space<hbm>> -> memref<5000xf32, #tpu.memory_space<hbm>>
        tpu.wait_dma2 semaphore(%run_scoped3A : memref<!tpu.dma_semaphore, #tpu.memory_space<semaphore_mem>>) src(%dma_wait3A_41 : memref<5000xf32, #tpu.memory_space<hbm>>) dst(%dma_wait3A_40 : memref<5000xf32, #tpu.memory_space<vmem>>)
        tpu.yield
      }) : () -> ()
      "tpu.region"() ({
        %run_scoped3A = tpu.sem_alloc : memref<!tpu.dma_semaphore, #tpu.memory_space<semaphore_mem>>
        %dma_start3A_30 = arith.constant 0 : i32
        %dma_start3A_31 = tpu.memref_slice %arg12[%dma_start3A_30] : memref<5008xf32, #tpu.memory_space<vmem>> -> memref<5000xf32, #tpu.memory_space<vmem>>
        %dma_start3A_32 = tpu.memref_slice %arg5[%multiple_of3A] : memref<4000000xf32, #tpu.memory_space<hbm>> -> memref<5000xf32, #tpu.memory_space<hbm>>
        %dma_start3A_33 = arith.constant 0 : i32
        %dma_start3A_34 = tpu.memref_slice %arg12[%dma_start3A_33] : memref<5008xf32, #tpu.memory_space<vmem>> -> memref<5000xf32, #tpu.memory_space<vmem>>
        %dma_start3A_35 = tpu.memref_slice %arg5[%multiple_of3A] : memref<4000000xf32, #tpu.memory_space<hbm>> -> memref<5000xf32, #tpu.memory_space<hbm>>
        tpu.enqueue_dma source(%dma_start3A_35 : memref<5000xf32, #tpu.memory_space<hbm>>) target(%dma_start3A_34 : memref<5000xf32, #tpu.memory_space<vmem>>) target_semaphore(%run_scoped3A : memref<!tpu.dma_semaphore, #tpu.memory_space<semaphore_mem>>)
        %dma_wait3A_36 = arith.constant 0 : i32
        %dma_wait3A_37 = tpu.memref_slice %arg12[%dma_wait3A_36] : memref<5008xf32, #tpu.memory_space<vmem>> -> memref<5000xf32, #tpu.memory_space<vmem>>
        %dma_wait3A_38 = tpu.memref_slice %arg5[%multiple_of3A] : memref<4000000xf32, #tpu.memory_space<hbm>> -> memref<5000xf32, #tpu.memory_space<hbm>>
        %dma_wait3A_39 = arith.constant 0 : i32
        %dma_wait3A_40 = tpu.memref_slice %arg12[%dma_wait3A_39] : memref<5008xf32, #tpu.memory_space<vmem>> -> memref<5000xf32, #tpu.memory_space<vmem>>
        %dma_wait3A_41 = tpu.memref_slice %arg5[%multiple_of3A] : memref<4000000xf32, #tpu.memory_space<hbm>> -> memref<5000xf32, #tpu.memory_space<hbm>>
        tpu.wait_dma2 semaphore(%run_scoped3A : memref<!tpu.dma_semaphore, #tpu.memory_space<semaphore_mem>>) src(%dma_wait3A_41 : memref<5000xf32, #tpu.memory_space<hbm>>) dst(%dma_wait3A_40 : memref<5000xf32, #tpu.memory_space<vmem>>)
        tpu.yield
      }) : () -> ()
      %dma_wait3A = arith.constant 0 : i32
      %dma_wait3A_19 = tpu.memref_slice %arg2[%dma_wait3A] : memref<2200000xf32, #tpu.memory_space<hbm>> -> memref<2200000xf32, #tpu.memory_space<hbm>>
      tpu.wait_indirect_dma semaphore(%arg13 : memref<!tpu.dma_semaphore, #tpu.memory_space<semaphore_mem>>) src(%dma_wait3A_19 : memref<2200000xf32, #tpu.memory_space<hbm>>) dst(%arg9 : memref<5008xf32, #tpu.memory_space<vmem>>)
      %dma_wait3A_20 = arith.constant 0 : i32
      %dma_wait3A_21 = tpu.memref_slice %arg3[%dma_wait3A_20] : memref<1000000xf32, #tpu.memory_space<hbm>> -> memref<1000000xf32, #tpu.memory_space<hbm>>
      tpu.wait_indirect_dma semaphore(%arg14 : memref<!tpu.dma_semaphore, #tpu.memory_space<semaphore_mem>>) src(%dma_wait3A_21 : memref<1000000xf32, #tpu.memory_space<hbm>>) dst(%arg10 : memref<5008xf32, #tpu.memory_space<vmem>>)
      %scan3A_22 = arith.constant 0 : i32
      %scan3A_23 = arith.constant 0 : i32
      %scan3A_24 = arith.constant 313 : i32
      %scan3A_25 = arith.addi %scan3A_23, %scan3A_24 : i32
      %scan3A_26 = arith.constant 1 : i32
      scf.for %scan3A_30 = %scan3A_23 to %scan3A_25 step %scan3A_26  : i32 {
        %mul3A_31 = arith.constant 16 : i32
        %mul3A_32 = arith.muli %scan3A_30, %mul3A_31 : i32
        %get3A = arith.index_cast %mul3A_32 : i32 to index
        %get3A_33 = tpu.vector_load %arg9[%get3A] {strides = array<i32>} : memref<5008xf32, #tpu.memory_space<vmem>>, vector<16xf32>,
        %get3A_34 = vector.shape_cast %get3A_33 : vector<16xf32> to vector<16xf32>
        %get3A_35 = arith.index_cast %mul3A_32 : i32 to index
        %get3A_36 = tpu.vector_load %arg11[%get3A_35] {strides = array<i32>} : memref<5008xf32, #tpu.memory_space<vmem>>, vector<16xf32>,
        %get3A_37 = vector.shape_cast %get3A_36 : vector<16xf32> to vector<16xf32>
        %add3A_38 = arith.addf %get3A_34, %get3A_37 : vector<16xf32>
        %swap3A_39 = arith.index_cast %mul3A_32 : i32 to index
        %swap3A_40 = tpu.vector_load %arg9[%swap3A_39] {strides = array<i32>} : memref<5008xf32, #tpu.memory_space<vmem>>, vector<16xf32>,
        %swap3A_41 = vector.shape_cast %swap3A_40 : vector<16xf32> to vector<16xf32>
        %swap3A_42 = vector.shape_cast %add3A_38 : vector<16xf32> to vector<16xf32>
        tpu.vector_store %arg9[%swap3A_39], %swap3A_42 {strides = array<i32>} : memref<5008xf32, #tpu.memory_space<vmem>>, vector<16xf32>,
        %get3A_43 = arith.index_cast %mul3A_32 : i32 to index
        %get3A_44 = tpu.vector_load %arg10[%get3A_43] {strides = array<i32>} : memref<5008xf32, #tpu.memory_space<vmem>>, vector<16xf32>,
        %get3A_45 = vector.shape_cast %get3A_44 : vector<16xf32> to vector<16xf32>
        %get3A_46 = arith.index_cast %mul3A_32 : i32 to index
        %get3A_47 = tpu.vector_load %arg12[%get3A_46] {strides = array<i32>} : memref<5008xf32, #tpu.memory_space<vmem>>, vector<16xf32>,
        %get3A_48 = vector.shape_cast %get3A_47 : vector<16xf32> to vector<16xf32>
        %add3A_49 = arith.addf %get3A_45, %get3A_48 : vector<16xf32>
        %swap3A_50 = arith.index_cast %mul3A_32 : i32 to index
        %swap3A_51 = tpu.vector_load %arg10[%swap3A_50] {strides = array<i32>} : memref<5008xf32, #tpu.memory_space<vmem>>, vector<16xf32>,
        %swap3A_52 = vector.shape_cast %swap3A_51 : vector<16xf32> to vector<16xf32>
        %swap3A_53 = vector.shape_cast %add3A_49 : vector<16xf32> to vector<16xf32>
        tpu.vector_store %arg10[%swap3A_50], %swap3A_53 {strides = array<i32>} : memref<5008xf32, #tpu.memory_space<vmem>>, vector<16xf32>,
      }
      %scan3A_27 = arith.constant 313 : i32
      "tpu.region"() ({
        %run_scoped3A = tpu.sem_alloc : memref<!tpu.dma_semaphore, #tpu.memory_space<semaphore_mem>>
        %dma_start3A_30 = arith.constant 0 : i32
        %dma_start3A_31 = tpu.memref_slice %arg9[%dma_start3A_30] : memref<5008xf32, #tpu.memory_space<vmem>> -> memref<5000xf32, #tpu.memory_space<vmem>>
        %dma_start3A_32 = tpu.memref_slice %arg7[%multiple_of3A] : memref<8000000xf32, #tpu.memory_space<hbm>> -> memref<5000xf32, #tpu.memory_space<hbm>>
        %dma_start3A_33 = tpu.memref_slice %arg7[%multiple_of3A] : memref<8000000xf32, #tpu.memory_space<hbm>> -> memref<5000xf32, #tpu.memory_space<hbm>>
        %dma_start3A_34 = arith.constant 0 : i32
        %dma_start3A_35 = tpu.memref_slice %arg9[%dma_start3A_34] : memref<5008xf32, #tpu.memory_space<vmem>> -> memref<5000xf32, #tpu.memory_space<vmem>>
        tpu.enqueue_dma source(%dma_start3A_35 : memref<5000xf32, #tpu.memory_space<vmem>>) target(%dma_start3A_33 : memref<5000xf32, #tpu.memory_space<hbm>>) target_semaphore(%run_scoped3A : memref<!tpu.dma_semaphore, #tpu.memory_space<semaphore_mem>>)
        %dma_wait3A_36 = arith.constant 0 : i32
        %dma_wait3A_37 = tpu.memref_slice %arg9[%dma_wait3A_36] : memref<5008xf32, #tpu.memory_space<vmem>> -> memref<5000xf32, #tpu.memory_space<vmem>>
        %dma_wait3A_38 = tpu.memref_slice %arg7[%multiple_of3A] : memref<8000000xf32, #tpu.memory_space<hbm>> -> memref<5000xf32, #tpu.memory_space<hbm>>
        %dma_wait3A_39 = tpu.memref_slice %arg7[%multiple_of3A] : memref<8000000xf32, #tpu.memory_space<hbm>> -> memref<5000xf32, #tpu.memory_space<hbm>>
        %dma_wait3A_40 = arith.constant 0 : i32
        %dma_wait3A_41 = tpu.memref_slice %arg9[%dma_wait3A_40] : memref<5008xf32, #tpu.memory_space<vmem>> -> memref<5000xf32, #tpu.memory_space<vmem>>
        tpu.wait_dma2 semaphore(%run_scoped3A : memref<!tpu.dma_semaphore, #tpu.memory_space<semaphore_mem>>) src(%dma_wait3A_41 : memref<5000xf32, #tpu.memory_space<vmem>>) dst(%dma_wait3A_39 : memref<5000xf32, #tpu.memory_space<hbm>>)
        tpu.yield
      }) : () -> ()
      %add3A_28 = arith.constant 4000000 : i32
      %add3A_29 = arith.addi %add3A_28, %multiple_of3A : i32
      "tpu.region"() ({
        %run_scoped3A = tpu.sem_alloc : memref<!tpu.dma_semaphore, #tpu.memory_space<semaphore_mem>>
        %dma_start3A_30 = arith.constant 0 : i32
        %dma_start3A_31 = tpu.memref_slice %arg10[%dma_start3A_30] : memref<5008xf32, #tpu.memory_space<vmem>> -> memref<5000xf32, #tpu.memory_space<vmem>>
        %dma_start3A_32 = tpu.memref_slice %arg7[%add3A_29] : memref<8000000xf32, #tpu.memory_space<hbm>> -> memref<5000xf32, #tpu.memory_space<hbm>>
        %dma_start3A_33 = tpu.memref_slice %arg7[%add3A_29] : memref<8000000xf32, #tpu.memory_space<hbm>> -> memref<5000xf32, #tpu.memory_space<hbm>>
        %dma_start3A_34 = arith.constant 0 : i32
        %dma_start3A_35 = tpu.memref_slice %arg10[%dma_start3A_34] : memref<5008xf32, #tpu.memory_space<vmem>> -> memref<5000xf32, #tpu.memory_space<vmem>>
        tpu.enqueue_dma source(%dma_start3A_35 : memref<5000xf32, #tpu.memory_space<vmem>>) target(%dma_start3A_33 : memref<5000xf32, #tpu.memory_space<hbm>>) target_semaphore(%run_scoped3A : memref<!tpu.dma_semaphore, #tpu.memory_space<semaphore_mem>>)
        %dma_wait3A_36 = arith.constant 0 : i32
        %dma_wait3A_37 = tpu.memref_slice %arg10[%dma_wait3A_36] : memref<5008xf32, #tpu.memory_space<vmem>> -> memref<5000xf32, #tpu.memory_space<vmem>>
        %dma_wait3A_38 = tpu.memref_slice %arg7[%add3A_29] : memref<8000000xf32, #tpu.memory_space<hbm>> -> memref<5000xf32, #tpu.memory_space<hbm>>
        %dma_wait3A_39 = tpu.memref_slice %arg7[%add3A_29] : memref<8000000xf32, #tpu.memory_space<hbm>> -> memref<5000xf32, #tpu.memory_space<hbm>>
        %dma_wait3A_40 = arith.constant 0 : i32
        %dma_wait3A_41 = tpu.memref_slice %arg10[%dma_wait3A_40] : memref<5008xf32, #tpu.memory_space<vmem>> -> memref<5000xf32, #tpu.memory_space<vmem>>
        tpu.wait_dma2 semaphore(%run_scoped3A : memref<!tpu.dma_semaphore, #tpu.memory_space<semaphore_mem>>) src(%dma_wait3A_41 : memref<5000xf32, #tpu.memory_space<vmem>>) dst(%dma_wait3A_39 : memref<5000xf32, #tpu.memory_space<hbm>>)
        tpu.yield
      }) : () -> ()
    }
    %scan3A_11 = arith.constant 25 : i32
    return
  }
}

</mosaic_0001>

<sc_bundles>
// kernel: kernel.3.cloned.1.call-start
scs
__scs_entry_jumppad:
0x0: {  	(pc) =	sbr.rel $0x88, $3  }
0x1: {  	(tag) =	ssettag $0x0;
	lr =	simm.s32 $0x1  }
0x2: {  	[smem:$0x3F9D] =	sst lr;
	_ =	strace $0xD0000000  }
0x3: {  	_ = 	snop  }
0x4: {  	_ = 	snop  }
0x5: {  	_ = 	snop  }
0x6: {  	_ = 	snop  }
0x7: {  	_ = 	snop  }
__scs_overlays_trampoline_lowered:
0x8: {  	[smem:$0x3FAC] =	sst s0  }
0x9: {  	[smem:$0x3FAD] =	sst s1  }
0xa: {  	[smem:$0x3FAE] =	sst s2  }
0xb: {  	[smem:$0x3FAF] =	sst s3  }
0xc: {  	[smem:$0x3FB0] =	sst s4  }
0xd: {  	[smem:$0x3FB1] =	sst s5  }
0xe: {  	[smem:$0x3FB2] =	sst s6  }
0xf: {  	[smem:$0x3FB3] =	sst s7  }
0x10: {  	[smem:$0x3FB4] =	sst s8  }
0x11: {  	[smem:$0x3FB5] =	sst s9;
	s0 =	simm.s32 @!p0 $0x0  }
0x12: {  	s1 =	sld [smem:$0x3F9B];
	s0 =	simm.s32 @p0 $0x1  }
0x13: {  	[smem:$0x3FB6] =	sst s0;
	s0 =	simm.s32 @!p1 $0x0  }
0x14: {  	s2 =	sld [smem:$0x3F9A];
	s0 =	simm.s32 @p1 $0x1  }
0x15: {  	[smem:$0x3FB7] =	sst s0;
	s0 =	simm.s32 @!p2 $0x0  }
0x16: {  	s3 =	sld [smem:$0x3FDB];
	s0 =	simm.s32 @p2 $0x1  }
0x17: {  	s4 =	simm.s32 $0x1BF5;
	[smem:$0x3FB9] =	sst s0  }
0x18: {  	s0 =	sld [smem:$0x3F9C];
	_ =	swait.ge [sflag:s4], $0x0  }
0x19: {  	s7 =	sld [smem:$0x3F9D]  }
0x1a: {  	s8 =	sadd.s32 $0xFFFFE003, lr  }
0x1b: {  	s9 =	sadd.s32 $0xFFFFFEF7, lr;
	s5 =	simm.s32 $0xFFFFFFFF;
	p2 =	slt.u32 s8, $0xFFFFF086  }
0x1c: {  	p1 =	slt.u32 s9, $0xF7A;
	s5 =	simm.s32 @!p2 $0x0  }
0x1d: {  	s5 =	simm.s32 @p1 $0x1;
	p0 =	seq.s32 s7, s2  }
0x1e: {  	s7 =	smul.u32 @!p0 $0xF7A, s2;
	p2 =	seq.s32 @!p0 s5, $0x0  }
0x1f: {  	s9 =	smul.u32 $0xF7A, s1;
	s8 =	simm.s32 @!p0 $0x1BF5;
	p2 =	por !p2, p0  }
0x20: {  	[sflag:s8] =	ssyncset.s32 @!p0 $0xFFFFF086;
	s6 =	sadd.s32 @!p0 s3, s7;
	s7 =	simm.s32 @!p0 $0x108  }
0x21: {  	s3 =	sadd.s32 s3, s9;
	s6 =	sadd.s32 @!p0 $0x88, s6;
	s7 =	simm.s32 @p2 $0x1082  }
0x22: {  	[simem:s7], [sflag:s8] =	dma.local @!p0 [hbm:s6], $0xF7A  }
0x23: {  	s9 =	sor.u32 $0xD0000000, s2;
	s6 =	simm.s32 $0x108;
	_ =	swait.ge @!p0 [sflag:s8], $0x0  }
0x24: {  	s3 =	sadd.s32 $0x88, s3;
	s6 =	simm.s32 @!p1 $0x1082;
	[sflag:s4] =	ssyncset.s32 $0xFFFFF086  }
0x25: {  	[simem:s6], [sflag:s4] =	dma.local [hbm:s3], $0xF7A  }
0x26: {  	[smem:$0x3F9D] =	sst s1;
	(tag) =	ssettag s2;
	_ =	strace s9  }
0x27: {  	s1 =	sld [smem:$0x3FAD]  }
0x28: {  	s2 =	sld [smem:$0x3FAE]  }
0x29: {  	s4 =	sld [smem:$0x3FB0]  }
0x2a: {  	p0 =	seq.s32 s5, $0x0;
	s5 =	sld [smem:$0x3FB1]  }
0x2b: {  	s6 =	sld [smem:$0x3FB2]  }
0x2c: {  	s7 =	sld [smem:$0x3FB3]  }
0x2d: {  	s3 =	simm.s32 $0x108;
	s8 =	sld [smem:$0x3FB4]  }
0x2e: {  	s3 =	simm.s32 @!p0 $0x1082;
	s9 =	sld [smem:$0x3FB5]  }
0x2f: {  	lr =	sadd.s32 s0, s3;
	s0 =	sld [smem:$0x3FAC]  }
0x30: {  	s3 =	sld [smem:$0x3FAF]  }
0x31: {  	[smem:$0x3FB8] =	sst s10  }
0x32: {  	s10 =	sld [smem:$0x3FB6];
	_ =	sdelay $0x3  }
0x33: {  	p0 =	seq.s32 s10, $0x1;
	s10 =	sld [smem:$0x3FB8];
	_ =	sdelay $0x3  }
0x34: {  	[smem:$0x3FB8] =	sst s10  }
0x35: {  	s10 =	sld [smem:$0x3FB7];
	_ =	sdelay $0x3  }
0x36: {  	p1 =	seq.s32 s10, $0x1;
	s10 =	sld [smem:$0x3FB8];
	_ =	sdelay $0x3  }
0x37: {  	[smem:$0x3FB8] =	sst s10  }
0x38: {  	s10 =	sld [smem:$0x3FB9]  }
0x39: {  	_ = 	snop;
	(pc) =	sbr.ind lr, $3  }
0x3a: {  	_ = 	snop  }
0x3b: {  	_ = 	snop  }
0x3c: {  	p2 =	seq.s32 s10, $0x1;
	s10 =	sld [smem:$0x3FB8]  }
0x3d: {  	_ =	shalt  }
0x3e: {  	_ =	shalt  }
0x3f: {  	_ =	shalt  }
0x40: {  	_ =	shalt  }
0x41: {  	_ =	shalt  }
0x42: {  	_ =	shalt  }
0x43: {  	_ =	shalt  }
0x44: {  	_ =	shalt  }
0x45: {  	_ =	shalt  }
0x46: {  	_ =	shalt  }
0x47: {  	_ =	shalt  }
0x48: {  	_ =	shalt  }
0x49: {  	_ =	shalt  }
0x4a: {  	_ =	shalt  }
0x4b: {  	_ =	shalt  }
0x4c: {  	_ =	shalt  }
0x4d: {  	_ =	shalt  }
0x4e: {  	_ =	shalt  }
0x4f: {  	_ =	shalt  }
0x50: {  	_ =	shalt  }
0x51: {  	_ =	shalt  }
0x52: {  	_ =	shalt  }
0x53: {  	_ =	shalt  }
0x54: {  	_ =	shalt  }
0x55: {  	_ =	shalt  }
0x56: {  	_ =	shalt  }
0x57: {  	_ =	shalt  }
0x58: {  	_ =	shalt  }
0x59: {  	_ =	shalt  }
0x5a: {  	_ =	shalt  }
0x5b: {  	_ =	shalt  }
0x5c: {  	_ =	shalt  }
0x5d: {  	_ =	shalt  }
0x5e: {  	_ =	shalt  }
0x5f: {  	_ =	shalt  }
0x60: {  	_ =	shalt  }
0x61: {  	_ =	shalt  }
0x62: {  	_ =	shalt  }
0x63: {  	_ =	shalt  }
0x64: {  	_ =	shalt  }
0x65: {  	_ =	shalt  }
0x66: {  	_ =	shalt  }
0x67: {  	_ =	shalt  }
0x68: {  	_ =	shalt  }
0x69: {  	_ =	shalt  }
0x6a: {  	_ =	shalt  }
0x6b: {  	_ =	shalt  }
0x6c: {  	_ =	shalt  }
0x6d: {  	_ =	shalt  }
0x6e: {  	_ =	shalt  }
0x6f: {  	_ =	shalt  }
0x70: {  	_ =	shalt  }
0x71: {  	_ =	shalt  }
0x72: {  	_ =	shalt  }
0x73: {  	_ =	shalt  }
0x74: {  	_ =	shalt  }
0x75: {  	_ =	shalt  }
0x76: {  	_ =	shalt  }
0x77: {  	_ =	shalt  }
0x78: {  	_ =	shalt  }
0x79: {  	_ =	shalt  }
0x7a: {  	_ =	shalt  }
0x7b: {  	_ =	shalt  }
0x7c: {  	_ =	shalt  }
0x7d: {  	_ =	shalt  }
0x7e: {  	_ =	shalt  }
0x7f: {  	_ =	shalt  }
0x80: {  	_ =	shalt  }
0x81: {  	_ =	shalt  }
0x82: {  	_ =	shalt  }
0x83: {  	_ =	shalt  }
0x84: {  	_ =	shalt  }
0x85: {  	_ =	shalt  }
0x86: {  	_ =	shalt  }
0x87: {  	_ =	shalt  }
.Lfunc_end0:
.L_simem_size_0:
called_computation_lowered:
.L_overlay_start_0:
0x88: {  	s2 =	sld [smem:$0x3FD9]  }
0x89: {  	s3 =	sld [smem:$0x3FFE];
	_ =	sdelay $0x1  }
0x8a: {  	s1 =	srdreg.scid  }
0x8b: {  	s0 =	sand.u32 $0x1, s1  }
0x8c: {  	s17 =	sshll.u32 s0, $0xA;
	s2 =	sadd.s32 s3, s2  }
0x8d: {  	s2 =	sadd.s32 s2, s17  }
0x8e: {  	[smem:$0x3FC4] =	sst s2  }
0x8f: {  	_ = 	snop  }
0x90: {  	s2 =	sld [smem:$0x3FC9]  }
0x91: {  	s18 =	sld [smem:$0x3FC8]  }
0x92: {  	s4 =	sld [smem:$0x3FC7]  }
0x93: {  	s5 =	sld [smem:$0x3FC6]  }
0x94: {  	s6 =	sld [smem:$0x3FD0];
	(tm) =	ssettm $0x1  }
0x95: {  	s7 =	sld [smem:$0x3FFB];
	_ =	sdelay $0x3  }
0x96: {  	_ =	strace s7  }
0x97: {  	s7 =	sld [smem:$0x3FFC];
	_ =	sdelay $0x3  }
0x98: {  	_ =	strace s7  }
0x99: {  	s7 =	sld [smem:$0x3FFD];
	_ =	sdelay $0x3  }
0x9a: {  	_ =	strace s7  }
0x9b: {  	_ =	strace $0x8FFFFFFF  }
0x9c: {  	s19 =	sld [smem:$0x3FDB];
	_ =	sdelay $0x1  }
0x9d: {  	s8 =	simm.s32 $_scs_section_size  }
0x9e: {  	s9 =	simm.s32 $_size__tile_overlayer_lowered;
	s10 =	simm.s32 $_tile_overlayer_lowered  }
0x9f: {  	s22 =	simm.s32 $0x1BFF;
	s21 =	sshll.u32 s10, $0x1;
	s7 =	sadd.s32 s8, s19  }
0xa0: {  	s11 =	simm.s32 $0x0;
	s20 =	sshll.u32 s9, $0x1;
	s9 =	sadd.s32 s21, s7  }
0xa1: {  	[timem:s11], [sflag:s22] =	dma.local [hbm:s9], s20  }
0xa2: {  	_ =	swait.ge [sflag:s22], s20  }
0xa3: {  	s8 =	ssub.s32 $0x0, s20;
	[sflag:s22] =	ssyncset.done $0x0  }
0xa4: {  	[sflag:s22] =	ssyncadd.s32 s8;
	_ =	sdelay $0x1  }
0xa5: {  	s23 =	simm.s32 $0x1B8B  }
0xa6: {  	_ =	swait.ge [sflag:s23], $0x1  }
0xa7: {  	[sflag:s23] =	ssyncset.done $0x0  }
0xa8: {  	s25 =	simm.s32 $0x1B8E;
	s24 =	sld [smem:$0x3FFE];
	[sflag:s23] =	ssyncadd.s32 $0xFFFFFFFF  }
0xa9: {  	s26 =	simm.s32 $execute0_lowered;
	[smem:$0x3FD2] =	sst s25  }
0xaa: {  	s9 =	sshll.u32 s26, $0x1;
	_ =	strace $0x80000046;
	[dreg:$0x1] =	wrdreg $0xFFFFFFFF  }
0xab: {  	s28 =	simm.s32 $_size_execute0_lowered;
	s7 =	sadd.s32 s7, s9;
	[dreg:$0x0] =	wrdreg $0x0  }
0xac: {  	s9 =	sshll.u32 s28, $0x1;
	[dreg:$0x2] =	wrdreg s7  }
0xad: {  	[dreg:$0x3] =	wrdreg s9  }
0xae: {  	[dreg:$0x4] =	wrdreg $0xC0  }
0xaf: {  	_ =	task [dreg:s11], $0x5FFFF  }
0xb0: {  	[dreg:$0x1] =	wrdreg $0xFFFFFFFF  }
0xb1: {  	[dreg:$0x0] =	wrdreg $0x60  }
0xb2: {  	[dreg:$0x2] =	wrdreg s2  }
0xb3: {  	[dreg:$0x3] =	wrdreg s24  }
0xb4: {  	[dreg:$0x4] =	wrdreg s18  }
0xb5: {  	[dreg:$0x5] =	wrdreg s4  }
0xb6: {  	[dreg:$0x6] =	wrdreg s5  }
0xb7: {  	[dreg:$0x7] =	wrdreg s6  }
0xb8: {  	[dreg:$0x8] =	wrdreg $0x9  }
0xb9: {  	_ =	task.clear_ibuf [dreg:s11], $0x9FFFF;
	_ =	strace $0x90000046  }
0xba: {  	s29 =	simm.s32 $0x9;
	_ =	strace $0x80000048  }
0xbb: {  	_ =	swait.ge [sflag:s29], $0x1  }
0xbc: {  	[sflag:s29] =	ssyncadd.s32 $0xFFFFFFFF  }
0xbd: {  	_ =	strace $0x90000048  }
0xbe: {  	_ =	sfence  }
0xbf: {  	s30 =	sld [smem:$0x0];
	_ =	sdelay $0x2  }
0xc0: {  	s31 =	sshll.u32 s1, $0xD;
	s1 =	sshrl.u32 s1, $0x2  }
0xc1: {  	s3 =	sand.u32 $0x4000, s31;
	s1 =	sadd.s32 s1, s30  }
0xc2: {  	s0 =	sor.u32 s3, s0;
	s1 =	sshll.u32 s1, $0x11  }
0xc3: {  	s0 =	sor.u32 s1, s0  }
0xc4: {  	s0 =	sadd.s32 $0x8F2B, s0  }
0xc5: {  	[sflag:s0] =	ssyncadd.remote.s32 $0x1  }
0xc6: {  	_ =	sfence.sel $0xFFFF  }
0xc7: {  	[dreg:$0x0] =	wrdreg $0xFFFFFFFF;
	(pc) =	sbr.abs _section_cstart, $3  }
0xc8: {  	[dreg:$0x1] =	wrdreg $0xFFFFFFFF  }
0xc9: {  	_ =	task.clear_ibuf [dreg:s11], $0x2FFFF;
	_ =	strace $0x9FFFFFFF  }
0xca: {  	(tm) =	ssettm $0x7FFFFFFF  }
0xcb: {  	_ =	shalt  }
tec
execute0_lowered:
.L_overlay_start_1:
0x0: {  	(tag) =	ssettag $0x1  }
0x1: {  	s0 =	rddreg [dreg:$0x0]  }
0x2: {  	s8 =	rddreg [dreg:$0x1]  }
0x3: {  	s2 =	rddreg [dreg:$0x2]  }
0x4: {  	s3 =	rddreg [dreg:$0x3]  }
0x5: {  	s4 =	rddreg [dreg:$0x4]  }
0x6: {  	s5 =	rddreg [dreg:$0x5]  }
0x7: {  	s6 =	srdreg.scid;
	s1 =	rddreg [dreg:$0x6];
	s7 =	simm.s32 $0x0  }
0x8: {  	s13 =	simm.s32 $0x1400;
	s14 =	simm.s32 $0x2800;
	s15 =	simm.s32 $0x3C00  }
0x9: {  	s16 =	simm.s32 $0x5000;
	s17 =	simm.s32 $0x1;
	s18 =	simm.s32 $0x2  }
0xa: {  	s19 =	simm.s32 $0x0;
	s9 =	sand.u32 $0x1, s6;
	s6 =	stileid.u32  }
0xb: {  	[smem:$0x7FF] =	sst s7;
	s8 =	sadd.s32 $0x400, s8;
	s10 =	ssub.s32 $0x2, s9  }
0xc: {  	s12 =	sshll.u32 s6, $0x1;
	_ =	strace $0x80000047;
	s11 =	sshrl.u32 s10, $0x1  }
0xd: {  	s9 =	sor.u32 s9, s12;
	s12 =	simm.s32 $0x1390;
	s10 =	ssub.s32 s10, s11  }
0xe: {  	v0 =	vimm.s32 $0x0;
	s9 =	smul.u32 $0x1E848, s9;
	s11 =	simm.s32 $0x3;
	s10 =	smax.u32 s10, $0x1  }
.LBB2_1:
0xf: {  	[tilespmem:$0x1380] =	vst v0;
	s20 =	simm.s32 $0x0  }
.LBB2_2:
0x10: {  	s21 =	smul.u32 $0x1388, s20;
	_ =	sdelay $0x1  }
0x11: {  	s21 =	sadd.s32 s9, s21  }
0x12: {  	s21 =	sshrl.u32 s21, $0x3  }
0x13: {  	s23 =	simm.s32 $0x0;
	s22 =	sadd.s32 s4, s21  }
0x14: {  	[tilespmem:s23], [sflag:$0x3] =	stream.linear.gather [hbm4b:s22+s23], $0x1388, $0x38;
	[tilespmem:$0x6400] =	vst v63  }
0x15: {  	_ =	swait.ge [sflag:s11], $0x1388  }
0x16: {  	[sflag:s11] =	ssyncset.done $0x0  }
0x17: {  	[sflag:s11] =	ssyncadd.s32 $0xFFFFEC78  }
0x18: {  	[tilespmem:s13], [sflag:$0x1] =	stream.indirect.gather [hbm4b:s0+s12], $0x1, s23, s12, $0xb8;
	[tilespmem:$0x6400] =	vst v63  }
0x19: {  	_ = 	snop  }
0x1a: {  	[tilespmem:s14], [sflag:$0x2] =	stream.indirect.gather [hbm4b:s8+s12], $0x1, s23, s12, $0xb8;
	[tilespmem:$0x6400] =	vst v63  }
0x1b: {  	s30 =	sadd.s32 s2, s21  }
0x1c: {  	[tilespmem:s15], [sflag:$0x3] =	stream.linear.gather [hbm4b:s30+s23], $0x1388, $0x38;
	[tilespmem:$0x6400] =	vst v63  }
0x1d: {  	_ =	swait.ge [sflag:s11], $0x1388  }
0x1e: {  	[sflag:s11] =	ssyncset.done $0x0  }
0x1f: {  	s31 =	sadd.s32 s3, s21;
	[sflag:s11] =	ssyncadd.s32 $0xFFFFEC78  }
0x20: {  	[tilespmem:s16], [sflag:$0x3] =	stream.linear.gather [hbm4b:s31+s23], $0x1388, $0x38;
	[tilespmem:$0x6400] =	vst v63  }
0x21: {  	_ =	swait.ge [sflag:s11], $0x1388  }
0x22: {  	[sflag:s11] =	ssyncset.done $0x0  }
0x23: {  	[sflag:s11] =	ssyncadd.s32 $0xFFFFEC78  }
0x24: {  	_ =	swait.ge [sflag:s17], $0x1390  }
0x25: {  	[sflag:s17] =	ssyncset.done $0x0  }
0x26: {  	[sflag:s17] =	ssyncadd.s32 $0xFFFFEC70  }
0x27: {  	_ =	swait.ge [sflag:s18], $0x1390  }
0x28: {  	[sflag:s18] =	ssyncset.done $0x0  }
0x29: {  	s22 =	simm.s32 $0x0;
	[sflag:s18] =	ssyncadd.s32 $0xFFFFEC70  }
0x2a: {  	v1 =	vld [tilespmem:s22+$0x3C00]  }
0x2b: {  	v2 =	vld [tilespmem:s22+$0x5000]  }
0x2c: {  	s23 =	simm.s32 $0x40;
	v3 =	vld [tilespmem:s22+$0x1400]  }
.LBB2_3:
0x2d: {  	p0 =	sne.s32 s23, $0x4E00;
	v4 =	vld [tilespmem:s22+$0x2800];
	_ =	sdelay $0x2  }
.Ltmp0:
0x2e: {  	(pc) =	sbr.rel @p0 .LBB2_3-.Ltmp0, $4  }
0x2f: {  	s24 =	sshra.s32 s23, $0x2;
	v3 =	vadd.f32 v1, v3  }
0x30: {  	v1 =	vld [tilespmem:s24+$0x3C00];
	v4 =	vadd.f32 v2, v4  }
0x31: {  	v2 =	vld [tilespmem:s24+$0x5000];
	[tilespmem:s22+$0x1400] =	vst v3  }
0x32: {  	s23 =	sadd.s32 $0x40, s23;
	v3 =	vld [tilespmem:s24+$0x1400];
	[tilespmem:s22+$0x2800] =	vst v4;
	s22 =	smov.u32 s24  }
0x33: {  	v4 =	vld [tilespmem:s22+$0x2800];
	_ =	sdelay $0x3  }
0x34: {  	v1 =	vadd.f32 v1, v3  }
0x35: {  	v2 =	vadd.f32 v2, v4  }
0x36: {  	[tilespmem:s22+$0x1400] =	vst v1  }
0x37: {  	s21 =	sadd.s32 s5, s21;
	[tilespmem:s22+$0x2800] =	vst v2  }
0x38: {  	[hbm4b:s21+s7] =	stream.linear.scatter [tilespmem:s13], [sflag:$0x3], $0x1388, $0x38;
	[tilespmem:$0x6400] =	vst v63  }
0x39: {  	s20 =	sadd.s32 $0x1, s20;
	_ =	swait.ge [sflag:s11], $0x1388  }
0x3a: {  	p0 =	sne.s32 s20, $0x19;
	[sflag:s11] =	ssyncset.done $0x0  }
.Ltmp1:
0x3b: {  	s21 =	sadd.s32 $0x7A120, s21;
	[sflag:s11] =	ssyncadd.s32 $0xFFFFEC78;
	(pc) =	sbr.rel @p0 .LBB2_2-.Ltmp1, $4  }
0x3c: {  	[hbm4b:s21+s7] =	stream.linear.scatter [tilespmem:s14], [sflag:$0x3], $0x1388, $0x38;
	[tilespmem:$0x6400] =	vst v63  }
0x3d: {  	_ =	swait.ge [sflag:s11], $0x1388  }
0x3e: {  	[sflag:s11] =	ssyncset.done $0x0  }
0x3f: {  	[sflag:s11] =	ssyncadd.s32 $0xFFFFEC78  }
0x40: {  	s19 =	sadd.s32 $0x1, s19  }
0x41: {  	p0 =	sne.s32 s19, s10  }
.Ltmp2:
0x42: {  	_ = 	snop;
	(pc) =	sbr.rel @p0 .LBB2_1-.Ltmp2, $1  }
0x43: {  	_ =	sdelay $0x3  }
0x44: {  	_ =	sfence.sel $0x180000  }
0x45: {  	[bflag:$0x0] =	sbarrier.arrive $0xFFFF  }
0x46: {  	p0 =	sne.s32 s6, $0x0;
	_ =	strace $0x90000047  }
0x47: {  	s0 =	sadd.s32 @!p0 $0x100000, s1;
	[bflag:$0x2] =	sbarrier.arrive $0xFFFF  }
0x48: {  	[sflag:s0] =	ssyncadd.tile.s32 @!p0 $0x1;
	_ =	shalt  }
.Lfunc_end2:
_tile_overlayer_lowered:
.L_overlay_start_2:
0x49: {  	(tag) =	ssettag $0x2  }
0x4a: {  	s0 =	rddreg [dreg:$0x0];
	s2 =	stileid.u32  }
0x4b: {  	s1 =	rddreg [dreg:$0x1];
	p0 =	sne.s32 s2, $0x0  }
0x4c: {  	s3 =	rddreg [dreg:$0x2];
	[bflag:$0x3] =	sbarrier.arrive $0xFFFF;
	s2 =	simm.s32 @!p0 $0x1C03  }
0x4d: {  	[timem:s3], [sflag:s2] =	dma.local @!p0 [hbm:s0], s1  }
0x4e: {  	s0 =	simm.s32 @!p0 $0x3  }
0x4f: {  	_ =	swait.ge @!p0 [sflag:s0], s1  }
0x50: {  	s1 =	ssub.s32 @!p0 $0x0, s1;
	[sflag:s0] =	ssyncset.done @!p0 $0x0  }
0x51: {  	[sflag:s0] =	ssyncadd.s32 @!p0 s1  }
0x52: {  	[bflag:$0x3] =	sbarrier.arrive $0xFFFF  }
0x53: {  	_ =	shalt  }

</sc_bundles>
